<compile_context>
chip_gen: v7x
topology: tpu7x:2x2x1
jax: 0.10.2.dev20260603
libtpu: 0.0.44.dev20260713+nightly
codegen_flags: <defaults>
</compile_context>

<pallas_src>
import functools

import jax
import jax.numpy as jnp
from jax import lax
from jax.experimental import pallas as pl
from jax.experimental.pallas import tpu as pltpu
from jax.experimental.pallas import tpu_sc as plsc

BATCH = 16384
HIST = 50
D_MODEL = 64
B_TOTAL = BATCH * HIST

NUM_CORES = 2
NUM_SUBCORES = 16
NW = NUM_CORES * NUM_SUBCORES
B_PER_W = B_TOTAL // NW
CHUNK = 512
N_CHUNKS = B_PER_W // CHUNK

_mesh = plsc.VectorSubcoreMesh(core_axis_name="c", subcore_axis_name="s")


@functools.partial(
    pl.kernel,
    out_type=jax.ShapeDtypeStruct((B_TOTAL, D_MODEL), jnp.float32),
    mesh=_mesh,
    compiler_params=pltpu.CompilerParams(use_tc_tiling_on_sc=False),
    scratch_types=[
        pltpu.VMEM((B_PER_W,), jnp.int32),
        pltpu.VMEM((B_PER_W,), jnp.int32),
        pltpu.VMEM((2, CHUNK, D_MODEL), jnp.float32),
        pltpu.SemaphoreType.DMA,
        pltpu.SemaphoreType.DMA,
        pltpu.SemaphoreType.DMA,
        pltpu.SemaphoreType.DMA,
    ],
)
def _sc_gather(idx_hbm, sidx_hbm, table_hbm, out_hbm,
               idx_v, sidx_v, rows_v, g0, g1, s0, s1):
    wid = lax.axis_index("s") * NUM_CORES + lax.axis_index("c")
    base = wid * B_PER_W
    gsem = (g0, g1)
    ssem = (s0, s1)

    def start_gather(i, b):
        pltpu.make_async_copy(
            table_hbm.at[idx_v.at[pl.ds(i * CHUNK, CHUNK)]],
            rows_v.at[b], gsem[b]).start()

    def wait_gather(b):
        pltpu.make_async_copy(
            table_hbm.at[idx_v.at[pl.ds(0, CHUNK)]],
            rows_v.at[b], gsem[b]).wait()

    def start_store(i, b):
        pltpu.make_async_copy(
            rows_v.at[b], out_hbm.at[sidx_v.at[pl.ds(i * CHUNK, CHUNK)]],
            ssem[b]).start()

    def wait_store(b):
        pltpu.make_async_copy(
            rows_v.at[b], out_hbm.at[sidx_v.at[pl.ds(0, CHUNK)]],
            ssem[b]).wait()

    pltpu.sync_copy(idx_hbm.at[pl.ds(base, B_PER_W)], idx_v)
    pltpu.sync_copy(sidx_hbm.at[pl.ds(base, B_PER_W)], sidx_v)

    start_gather(0, 0)
    wait_gather(0)
    start_store(0, 0)
    start_gather(1, 1)

    def body(g, carry):
        i1 = 2 * g + 1
        wait_gather(1)
        start_store(i1, 1)
        wait_store(0)
        start_gather(i1 + 1, 0)
        i2 = 2 * g + 2
        wait_gather(0)
        start_store(i2, 0)
        wait_store(1)
        start_gather(i2 + 1, 1)
        return carry

    lax.fori_loop(0, (N_CHUNKS - 2) // 2, body, 0)

    wait_gather(1)
    start_store(N_CHUNKS - 1, 1)
    wait_store(0)
    wait_store(1)


BB = 4096


def _tc_body(x_ref, o_ref):
    o_ref[0] = x_ref[0].T


def _tc_transpose(o5):
    out = pl.pallas_call(
        _tc_body,
        out_shape=jax.ShapeDtypeStruct((HIST // 2, 128, BATCH), jnp.float32),
        grid=(HIST // 2, BATCH // BB),
        in_specs=[pl.BlockSpec((1, BB, 128), lambda j, i: (j, i, 0))],
        out_specs=pl.BlockSpec((1, 128, BB), lambda j, i: (j, 0, i)),
    )(o5)
    return out.reshape(HIST, D_MODEL, BATCH)


def kernel(indices, table):
    flat_idx = indices.reshape(-1)
    i = jnp.arange(B_TOTAL, dtype=jnp.int32)
    b = i // HIST
    h = i - b * HIST
    sidx = ((h >> 1) * BATCH + b) * 2 + (h & 1)
    o3 = _sc_gather(flat_idx, sidx, table)
    o5 = o3.reshape(HIST // 2, BATCH, 128)
    out_p = _tc_transpose(o5)
    return out_p.transpose(2, 0, 1)

# --- scband reference (transcript-rebuilt; emitter-appended) ---
"""Pipeline reference for scband-embedding-30124900614791 (READ-ONLY COPY).

The authoritative reference and input builder live on the scoring server;
editing this copy changes nothing except your own understanding.
"""

import jax, jax.numpy as jnp
import numpy as np

VOCAB = 1000000
D_MODEL = 64
BATCH = 16384
HIST = 50

def setup_inputs(seed: int = 0) -> dict:
    key = jax.random.key(seed)
    k_idx, k_tab = jax.random.split(key)
    indices = jax.random.randint(k_idx, (BATCH, HIST), 0, VOCAB, dtype=jnp.int32)
    # task_embed weight table (nn.Embedding(task_size, d_model)), default normal init
    table = jax.random.normal(k_tab, (VOCAB, D_MODEL), dtype=jnp.float32)
    return {"indices": indices, "table": table}

def reference(indices, table):
    # Faithful embedding lookup: nn.Embedding forward is a row gather from the weight table.
    # (word_embedding/bi_embedding are None in this configuration, so only task_embed is active.)
    out = jnp.take(table, indices, axis=0)  # [BATCH, HIST, D_MODEL]
    return out

if __name__ == "__main__":
    import jax
    _d = setup_inputs()
    print(jax.jit(kernel)(*tuple(_d.values())))

</pallas_src>

<mosaic_0001>
#map = affine_map<(d0, d1) -> (0)>
#map1 = affine_map<(d0, d1) -> (0, 0)>
module attributes {stable_mosaic.version = 14 : i64} {
  func.func @_sc_gather(%arg0: i32, %arg1: i32, %arg2: memref<819200xi32, #tpu.memory_space<hbm>>, %arg3: memref<819200xi32, #tpu.memory_space<hbm>>, %arg4: memref<1000000x64xf32, #tpu.memory_space<hbm>>, %arg5: memref<819200x64xf32, #tpu.memory_space<hbm>>, %arg6: memref<25600xi32, #tpu.memory_space<vmem>>, %arg7: memref<25600xi32, #tpu.memory_space<vmem>>, %arg8: memref<2x512x64xf32, #tpu.memory_space<vmem>>, %arg9: memref<!tpu.dma_semaphore, #tpu.memory_space<semaphore_mem>>, %arg10: memref<!tpu.dma_semaphore, #tpu.memory_space<semaphore_mem>>, %arg11: memref<!tpu.dma_semaphore, #tpu.memory_space<semaphore_mem>>, %arg12: memref<!tpu.dma_semaphore, #tpu.memory_space<semaphore_mem>>) attributes {dimension_semantics = [#tpu.dimension_semantics<core_parallel>, #tpu.dimension_semantics<subcore_parallel>], iteration_bounds = array<i64: 2, 16>, scalar_prefetch = 0 : i64, scratch_operands = 7 : i64, tpu.core_type = #tpu.core_type<sc_vector_subcore>, window_params = [{transform_indices = #map}, {transform_indices = #map}, {transform_indices = #map1}, {transform_indices = #map1}]} {
    %mul3A = arith.constant 2 : i32
    %mul3A_0 = arith.muli %arg1, %mul3A : i32
    %add3A = arith.addi %mul3A_0, %arg0 : i32
    %mul3A_1 = arith.constant 25600 : i32
    %mul3A_2 = arith.muli %add3A, %mul3A_1 : i32
    "tpu.region"() ({
      %run_scoped3A = tpu.sem_alloc : memref<!tpu.dma_semaphore, #tpu.memory_space<semaphore_mem>>
      %dma_start3A_86 = tpu.memref_slice %arg2[%mul3A_2] : memref<819200xi32, #tpu.memory_space<hbm>> -> memref<25600xi32, #tpu.memory_space<hbm>>
      %dma_start3A_87 = tpu.memref_slice %arg2[%mul3A_2] : memref<819200xi32, #tpu.memory_space<hbm>> -> memref<25600xi32, #tpu.memory_space<hbm>>
      tpu.enqueue_dma source(%dma_start3A_87 : memref<25600xi32, #tpu.memory_space<hbm>>) target(%arg6 : memref<25600xi32, #tpu.memory_space<vmem>>) target_semaphore(%run_scoped3A : memref<!tpu.dma_semaphore, #tpu.memory_space<semaphore_mem>>)
      %dma_wait3A_88 = tpu.memref_slice %arg2[%mul3A_2] : memref<819200xi32, #tpu.memory_space<hbm>> -> memref<25600xi32, #tpu.memory_space<hbm>>
      %dma_wait3A_89 = tpu.memref_slice %arg2[%mul3A_2] : memref<819200xi32, #tpu.memory_space<hbm>> -> memref<25600xi32, #tpu.memory_space<hbm>>
      tpu.wait_dma2 semaphore(%run_scoped3A : memref<!tpu.dma_semaphore, #tpu.memory_space<semaphore_mem>>) src(%dma_wait3A_89 : memref<25600xi32, #tpu.memory_space<hbm>>) dst(%arg6 : memref<25600xi32, #tpu.memory_space<vmem>>)
      tpu.yield
    }) : () -> ()
    "tpu.region"() ({
      %run_scoped3A = tpu.sem_alloc : memref<!tpu.dma_semaphore, #tpu.memory_space<semaphore_mem>>
      %dma_start3A_86 = tpu.memref_slice %arg3[%mul3A_2] : memref<819200xi32, #tpu.memory_space<hbm>> -> memref<25600xi32, #tpu.memory_space<hbm>>
      %dma_start3A_87 = tpu.memref_slice %arg3[%mul3A_2] : memref<819200xi32, #tpu.memory_space<hbm>> -> memref<25600xi32, #tpu.memory_space<hbm>>
      tpu.enqueue_dma source(%dma_start3A_87 : memref<25600xi32, #tpu.memory_space<hbm>>) target(%arg7 : memref<25600xi32, #tpu.memory_space<vmem>>) target_semaphore(%run_scoped3A : memref<!tpu.dma_semaphore, #tpu.memory_space<semaphore_mem>>)
      %dma_wait3A_88 = tpu.memref_slice %arg3[%mul3A_2] : memref<819200xi32, #tpu.memory_space<hbm>> -> memref<25600xi32, #tpu.memory_space<hbm>>
      %dma_wait3A_89 = tpu.memref_slice %arg3[%mul3A_2] : memref<819200xi32, #tpu.memory_space<hbm>> -> memref<25600xi32, #tpu.memory_space<hbm>>
      tpu.wait_dma2 semaphore(%run_scoped3A : memref<!tpu.dma_semaphore, #tpu.memory_space<semaphore_mem>>) src(%dma_wait3A_89 : memref<25600xi32, #tpu.memory_space<hbm>>) dst(%arg7 : memref<25600xi32, #tpu.memory_space<vmem>>)
      tpu.yield
    }) : () -> ()
    %dma_start3A = arith.constant 0 : i32
    %dma_start3A_3 = arith.constant 0 : i32
    %dma_start3A_4 = arith.constant 0 : i32
    %dma_start3A_5 = tpu.memref_slice %arg8[%dma_start3A, %dma_start3A_3, %dma_start3A_4] : memref<2x512x64xf32, #tpu.memory_space<vmem>> -> memref<1x512x64xf32, #tpu.memory_space<vmem>>
    %dma_start3A_6 = tpu.memref_squeeze %dma_start3A_5 : memref<1x512x64xf32, #tpu.memory_space<vmem>> -> memref<512x64xf32, #tpu.memory_space<vmem>>
    %dma_start3A_7 = arith.constant 0 : i32
    %dma_start3A_8 = tpu.memref_slice %arg6[%dma_start3A_7] : memref<25600xi32, #tpu.memory_space<vmem>> -> memref<512xi32, #tpu.memory_space<vmem>>
    %dma_start3A_9 = arith.constant 0 : i32
    %dma_start3A_10 = arith.constant 0 : i32
    %dma_start3A_11 = tpu.memref_slice %arg4[%dma_start3A_9, %dma_start3A_10] : memref<1000000x64xf32, #tpu.memory_space<hbm>> -> memref<1000000x64xf32, #tpu.memory_space<hbm>>
    tpu.enqueue_indirect_dma source(%dma_start3A_11 : memref<1000000x64xf32, #tpu.memory_space<hbm>>) target(%dma_start3A_6 : memref<512x64xf32, #tpu.memory_space<vmem>>) offsets(%dma_start3A_8 : memref<512xi32, #tpu.memory_space<vmem>>) semaphore(%arg9 : memref<!tpu.dma_semaphore, #tpu.memory_space<semaphore_mem>>)
    %dma_wait3A = arith.constant 0 : i32
    %dma_wait3A_12 = arith.constant 0 : i32
    %dma_wait3A_13 = arith.constant 0 : i32
    %dma_wait3A_14 = tpu.memref_slice %arg8[%dma_wait3A, %dma_wait3A_12, %dma_wait3A_13] : memref<2x512x64xf32, #tpu.memory_space<vmem>> -> memref<1x512x64xf32, #tpu.memory_space<vmem>>
    %dma_wait3A_15 = tpu.memref_squeeze %dma_wait3A_14 : memref<1x512x64xf32, #tpu.memory_space<vmem>> -> memref<512x64xf32, #tpu.memory_space<vmem>>
    %dma_wait3A_16 = arith.constant 0 : i32
    %dma_wait3A_17 = tpu.memref_slice %arg6[%dma_wait3A_16] : memref<25600xi32, #tpu.memory_space<vmem>> -> memref<512xi32, #tpu.memory_space<vmem>>
    %dma_wait3A_18 = arith.constant 0 : i32
    %dma_wait3A_19 = arith.constant 0 : i32
    %dma_wait3A_20 = tpu.memref_slice %arg4[%dma_wait3A_18, %dma_wait3A_19] : memref<1000000x64xf32, #tpu.memory_space<hbm>> -> memref<1000000x64xf32, #tpu.memory_space<hbm>>
    tpu.wait_indirect_dma semaphore(%arg9 : memref<!tpu.dma_semaphore, #tpu.memory_space<semaphore_mem>>) src(%dma_wait3A_20 : memref<1000000x64xf32, #tpu.memory_space<hbm>>) dst(%dma_wait3A_15 : memref<512x64xf32, #tpu.memory_space<vmem>>)
    %dma_start3A_21 = arith.constant 0 : i32
    %dma_start3A_22 = arith.constant 0 : i32
    %dma_start3A_23 = arith.constant 0 : i32
    %dma_start3A_24 = tpu.memref_slice %arg8[%dma_start3A_21, %dma_start3A_22, %dma_start3A_23] : memref<2x512x64xf32, #tpu.memory_space<vmem>> -> memref<1x512x64xf32, #tpu.memory_space<vmem>>
    %dma_start3A_25 = tpu.memref_squeeze %dma_start3A_24 : memref<1x512x64xf32, #tpu.memory_space<vmem>> -> memref<512x64xf32, #tpu.memory_space<vmem>>
    %dma_start3A_26 = arith.constant 0 : i32
    %dma_start3A_27 = tpu.memref_slice %arg7[%dma_start3A_26] : memref<25600xi32, #tpu.memory_space<vmem>> -> memref<512xi32, #tpu.memory_space<vmem>>
    %dma_start3A_28 = arith.constant 0 : i32
    %dma_start3A_29 = arith.constant 0 : i32
    %dma_start3A_30 = tpu.memref_slice %arg5[%dma_start3A_28, %dma_start3A_29] : memref<819200x64xf32, #tpu.memory_space<hbm>> -> memref<819200x64xf32, #tpu.memory_space<hbm>>
    tpu.enqueue_indirect_dma source(%dma_start3A_25 : memref<512x64xf32, #tpu.memory_space<vmem>>) target(%dma_start3A_30 : memref<819200x64xf32, #tpu.memory_space<hbm>>) offsets(%dma_start3A_27 : memref<512xi32, #tpu.memory_space<vmem>>) semaphore(%arg11 : memref<!tpu.dma_semaphore, #tpu.memory_space<semaphore_mem>>)
    %dma_start3A_31 = arith.constant 1 : i32
    %dma_start3A_32 = arith.constant 0 : i32
    %dma_start3A_33 = arith.constant 0 : i32
    %dma_start3A_34 = tpu.memref_slice %arg8[%dma_start3A_31, %dma_start3A_32, %dma_start3A_33] : memref<2x512x64xf32, #tpu.memory_space<vmem>> -> memref<1x512x64xf32, #tpu.memory_space<vmem>>
    %dma_start3A_35 = tpu.memref_squeeze %dma_start3A_34 : memref<1x512x64xf32, #tpu.memory_space<vmem>> -> memref<512x64xf32, #tpu.memory_space<vmem>>
    %dma_start3A_36 = arith.constant 512 : i32
    %dma_start3A_37 = tpu.memref_slice %arg6[%dma_start3A_36] : memref<25600xi32, #tpu.memory_space<vmem>> -> memref<512xi32, #tpu.memory_space<vmem>>
    %dma_start3A_38 = arith.constant 0 : i32
    %dma_start3A_39 = arith.constant 0 : i32
    %dma_start3A_40 = tpu.memref_slice %arg4[%dma_start3A_38, %dma_start3A_39] : memref<1000000x64xf32, #tpu.memory_space<hbm>> -> memref<1000000x64xf32, #tpu.memory_space<hbm>>
    tpu.enqueue_indirect_dma source(%dma_start3A_40 : memref<1000000x64xf32, #tpu.memory_space<hbm>>) target(%dma_start3A_35 : memref<512x64xf32, #tpu.memory_space<vmem>>) offsets(%dma_start3A_37 : memref<512xi32, #tpu.memory_space<vmem>>) semaphore(%arg10 : memref<!tpu.dma_semaphore, #tpu.memory_space<semaphore_mem>>)
    %scan3A = arith.constant 0 : i32
    %scan3A_41 = arith.constant 0 : i32
    %scan3A_42 = arith.constant 24 : i32
    %scan3A_43 = arith.addi %scan3A_41, %scan3A_42 : i32
    %scan3A_44 = arith.constant 1 : i32
    scf.for %scan3A_86 = %scan3A_41 to %scan3A_43 step %scan3A_44  : i32 {
      %mul3A_87 = arith.constant 2 : i32
      %mul3A_88 = arith.muli %mul3A_87, %scan3A_86 : i32
      %add3A_89 = arith.constant 1 : i32
      %add3A_90 = arith.addi %mul3A_88, %add3A_89 : i32
      %dma_wait3A_91 = arith.constant 1 : i32
      %dma_wait3A_92 = arith.constant 0 : i32
      %dma_wait3A_93 = arith.constant 0 : i32
      %dma_wait3A_94 = tpu.memref_slice %arg8[%dma_wait3A_91, %dma_wait3A_92, %dma_wait3A_93] : memref<2x512x64xf32, #tpu.memory_space<vmem>> -> memref<1x512x64xf32, #tpu.memory_space<vmem>>
      %dma_wait3A_95 = tpu.memref_squeeze %dma_wait3A_94 : memref<1x512x64xf32, #tpu.memory_space<vmem>> -> memref<512x64xf32, #tpu.memory_space<vmem>>
      %dma_wait3A_96 = arith.constant 0 : i32
      %dma_wait3A_97 = tpu.memref_slice %arg6[%dma_wait3A_96] : memref<25600xi32, #tpu.memory_space<vmem>> -> memref<512xi32, #tpu.memory_space<vmem>>
      %dma_wait3A_98 = arith.constant 0 : i32
      %dma_wait3A_99 = arith.constant 0 : i32
      %dma_wait3A_100 = tpu.memref_slice %arg4[%dma_wait3A_98, %dma_wait3A_99] : memref<1000000x64xf32, #tpu.memory_space<hbm>> -> memref<1000000x64xf32, #tpu.memory_space<hbm>>
      tpu.wait_indirect_dma semaphore(%arg10 : memref<!tpu.dma_semaphore, #tpu.memory_space<semaphore_mem>>) src(%dma_wait3A_100 : memref<1000000x64xf32, #tpu.memory_space<hbm>>) dst(%dma_wait3A_95 : memref<512x64xf32, #tpu.memory_space<vmem>>)
      %mul3A_101 = arith.constant 512 : i32
      %mul3A_102 = arith.muli %add3A_90, %mul3A_101 : i32
      %dma_start3A_103 = arith.constant 1 : i32
      %dma_start3A_104 = arith.constant 0 : i32
      %dma_start3A_105 = arith.constant 0 : i32
      %dma_start3A_106 = tpu.memref_slice %arg8[%dma_start3A_103, %dma_start3A_104, %dma_start3A_105] : memref<2x512x64xf32, #tpu.memory_space<vmem>> -> memref<1x512x64xf32, #tpu.memory_space<vmem>>
      %dma_start3A_107 = tpu.memref_squeeze %dma_start3A_106 : memref<1x512x64xf32, #tpu.memory_space<vmem>> -> memref<512x64xf32, #tpu.memory_space<vmem>>
      %dma_start3A_108 = tpu.memref_slice %arg7[%mul3A_102] : memref<25600xi32, #tpu.memory_space<vmem>> -> memref<512xi32, #tpu.memory_space<vmem>>
      %dma_start3A_109 = arith.constant 0 : i32
      %dma_start3A_110 = arith.constant 0 : i32
      %dma_start3A_111 = tpu.memref_slice %arg5[%dma_start3A_109, %dma_start3A_110] : memref<819200x64xf32, #tpu.memory_space<hbm>> -> memref<819200x64xf32, #tpu.memory_space<hbm>>
      tpu.enqueue_indirect_dma source(%dma_start3A_107 : memref<512x64xf32, #tpu.memory_space<vmem>>) target(%dma_start3A_111 : memref<819200x64xf32, #tpu.memory_space<hbm>>) offsets(%dma_start3A_108 : memref<512xi32, #tpu.memory_space<vmem>>) semaphore(%arg12 : memref<!tpu.dma_semaphore, #tpu.memory_space<semaphore_mem>>)
      %dma_wait3A_112 = arith.constant 0 : i32
      %dma_wait3A_113 = arith.constant 0 : i32
      %dma_wait3A_114 = arith.constant 0 : i32
      %dma_wait3A_115 = tpu.memref_slice %arg8[%dma_wait3A_112, %dma_wait3A_113, %dma_wait3A_114] : memref<2x512x64xf32, #tpu.memory_space<vmem>> -> memref<1x512x64xf32, #tpu.memory_space<vmem>>
      %dma_wait3A_116 = tpu.memref_squeeze %dma_wait3A_115 : memref<1x512x64xf32, #tpu.memory_space<vmem>> -> memref<512x64xf32, #tpu.memory_space<vmem>>
      %dma_wait3A_117 = arith.constant 0 : i32
      %dma_wait3A_118 = tpu.memref_slice %arg7[%dma_wait3A_117] : memref<25600xi32, #tpu.memory_space<vmem>> -> memref<512xi32, #tpu.memory_space<vmem>>
      %dma_wait3A_119 = arith.constant 0 : i32
      %dma_wait3A_120 = arith.constant 0 : i32
      %dma_wait3A_121 = tpu.memref_slice %arg5[%dma_wait3A_119, %dma_wait3A_120] : memref<819200x64xf32, #tpu.memory_space<hbm>> -> memref<819200x64xf32, #tpu.memory_space<hbm>>
      tpu.wait_indirect_dma semaphore(%arg11 : memref<!tpu.dma_semaphore, #tpu.memory_space<semaphore_mem>>) src(%dma_wait3A_116 : memref<512x64xf32, #tpu.memory_space<vmem>>) dst(%dma_wait3A_121 : memref<819200x64xf32, #tpu.memory_space<hbm>>)
      %add3A_122 = arith.constant 1 : i32
      %add3A_123 = arith.addi %add3A_90, %add3A_122 : i32
      %mul3A_124 = arith.constant 512 : i32
      %mul3A_125 = arith.muli %add3A_123, %mul3A_124 : i32
      %dma_start3A_126 = arith.constant 0 : i32
      %dma_start3A_127 = arith.constant 0 : i32
      %dma_start3A_128 = arith.constant 0 : i32
      %dma_start3A_129 = tpu.memref_slice %arg8[%dma_start3A_126, %dma_start3A_127, %dma_start3A_128] : memref<2x512x64xf32, #tpu.memory_space<vmem>> -> memref<1x512x64xf32, #tpu.memory_space<vmem>>
      %dma_start3A_130 = tpu.memref_squeeze %dma_start3A_129 : memref<1x512x64xf32, #tpu.memory_space<vmem>> -> memref<512x64xf32, #tpu.memory_space<vmem>>
      %dma_start3A_131 = tpu.memref_slice %arg6[%mul3A_125] : memref<25600xi32, #tpu.memory_space<vmem>> -> memref<512xi32, #tpu.memory_space<vmem>>
      %dma_start3A_132 = arith.constant 0 : i32
      %dma_start3A_133 = arith.constant 0 : i32
      %dma_start3A_134 = tpu.memref_slice %arg4[%dma_start3A_132, %dma_start3A_133] : memref<1000000x64xf32, #tpu.memory_space<hbm>> -> memref<1000000x64xf32, #tpu.memory_space<hbm>>
      tpu.enqueue_indirect_dma source(%dma_start3A_134 : memref<1000000x64xf32, #tpu.memory_space<hbm>>) target(%dma_start3A_130 : memref<512x64xf32, #tpu.memory_space<vmem>>) offsets(%dma_start3A_131 : memref<512xi32, #tpu.memory_space<vmem>>) semaphore(%arg9 : memref<!tpu.dma_semaphore, #tpu.memory_space<semaphore_mem>>)
      %mul3A_135 = arith.constant 2 : i32
      %mul3A_136 = arith.muli %mul3A_135, %scan3A_86 : i32
      %add3A_137 = arith.constant 2 : i32
      %add3A_138 = arith.addi %mul3A_136, %add3A_137 : i32
      %dma_wait3A_139 = arith.constant 0 : i32
      %dma_wait3A_140 = arith.constant 0 : i32
      %dma_wait3A_141 = arith.constant 0 : i32
      %dma_wait3A_142 = tpu.memref_slice %arg8[%dma_wait3A_139, %dma_wait3A_140, %dma_wait3A_141] : memref<2x512x64xf32, #tpu.memory_space<vmem>> -> memref<1x512x64xf32, #tpu.memory_space<vmem>>
      %dma_wait3A_143 = tpu.memref_squeeze %dma_wait3A_142 : memref<1x512x64xf32, #tpu.memory_space<vmem>> -> memref<512x64xf32, #tpu.memory_space<vmem>>
      %dma_wait3A_144 = arith.constant 0 : i32
      %dma_wait3A_145 = tpu.memref_slice %arg6[%dma_wait3A_144] : memref<25600xi32, #tpu.memory_space<vmem>> -> memref<512xi32, #tpu.memory_space<vmem>>
      %dma_wait3A_146 = arith.constant 0 : i32
      %dma_wait3A_147 = arith.constant 0 : i32
      %dma_wait3A_148 = tpu.memref_slice %arg4[%dma_wait3A_146, %dma_wait3A_147] : memref<1000000x64xf32, #tpu.memory_space<hbm>> -> memref<1000000x64xf32, #tpu.memory_space<hbm>>
      tpu.wait_indirect_dma semaphore(%arg9 : memref<!tpu.dma_semaphore, #tpu.memory_space<semaphore_mem>>) src(%dma_wait3A_148 : memref<1000000x64xf32, #tpu.memory_space<hbm>>) dst(%dma_wait3A_143 : memref<512x64xf32, #tpu.memory_space<vmem>>)
      %mul3A_149 = arith.constant 512 : i32
      %mul3A_150 = arith.muli %add3A_138, %mul3A_149 : i32
      %dma_start3A_151 = arith.constant 0 : i32
      %dma_start3A_152 = arith.constant 0 : i32
      %dma_start3A_153 = arith.constant 0 : i32
      %dma_start3A_154 = tpu.memref_slice %arg8[%dma_start3A_151, %dma_start3A_152, %dma_start3A_153] : memref<2x512x64xf32, #tpu.memory_space<vmem>> -> memref<1x512x64xf32, #tpu.memory_space<vmem>>
      %dma_start3A_155 = tpu.memref_squeeze %dma_start3A_154 : memref<1x512x64xf32, #tpu.memory_space<vmem>> -> memref<512x64xf32, #tpu.memory_space<vmem>>
      %dma_start3A_156 = tpu.memref_slice %arg7[%mul3A_150] : memref<25600xi32, #tpu.memory_space<vmem>> -> memref<512xi32, #tpu.memory_space<vmem>>
      %dma_start3A_157 = arith.constant 0 : i32
      %dma_start3A_158 = arith.constant 0 : i32
      %dma_start3A_159 = tpu.memref_slice %arg5[%dma_start3A_157, %dma_start3A_158] : memref<819200x64xf32, #tpu.memory_space<hbm>> -> memref<819200x64xf32, #tpu.memory_space<hbm>>
      tpu.enqueue_indirect_dma source(%dma_start3A_155 : memref<512x64xf32, #tpu.memory_space<vmem>>) target(%dma_start3A_159 : memref<819200x64xf32, #tpu.memory_space<hbm>>) offsets(%dma_start3A_156 : memref<512xi32, #tpu.memory_space<vmem>>) semaphore(%arg11 : memref<!tpu.dma_semaphore, #tpu.memory_space<semaphore_mem>>)
      %dma_wait3A_160 = arith.constant 1 : i32
      %dma_wait3A_161 = arith.constant 0 : i32
      %dma_wait3A_162 = arith.constant 0 : i32
      %dma_wait3A_163 = tpu.memref_slice %arg8[%dma_wait3A_160, %dma_wait3A_161, %dma_wait3A_162] : memref<2x512x64xf32, #tpu.memory_space<vmem>> -> memref<1x512x64xf32, #tpu.memory_space<vmem>>
      %dma_wait3A_164 = tpu.memref_squeeze %dma_wait3A_163 : memref<1x512x64xf32, #tpu.memory_space<vmem>> -> memref<512x64xf32, #tpu.memory_space<vmem>>
      %dma_wait3A_165 = arith.constant 0 : i32
      %dma_wait3A_166 = tpu.memref_slice %arg7[%dma_wait3A_165] : memref<25600xi32, #tpu.memory_space<vmem>> -> memref<512xi32, #tpu.memory_space<vmem>>
      %dma_wait3A_167 = arith.constant 0 : i32
      %dma_wait3A_168 = arith.constant 0 : i32
      %dma_wait3A_169 = tpu.memref_slice %arg5[%dma_wait3A_167, %dma_wait3A_168] : memref<819200x64xf32, #tpu.memory_space<hbm>> -> memref<819200x64xf32, #tpu.memory_space<hbm>>
      tpu.wait_indirect_dma semaphore(%arg12 : memref<!tpu.dma_semaphore, #tpu.memory_space<semaphore_mem>>) src(%dma_wait3A_164 : memref<512x64xf32, #tpu.memory_space<vmem>>) dst(%dma_wait3A_169 : memref<819200x64xf32, #tpu.memory_space<hbm>>)
      %add3A_170 = arith.constant 1 : i32
      %add3A_171 = arith.addi %add3A_138, %add3A_170 : i32
      %mul3A_172 = arith.constant 512 : i32
      %mul3A_173 = arith.muli %add3A_171, %mul3A_172 : i32
      %dma_start3A_174 = arith.constant 1 : i32
      %dma_start3A_175 = arith.constant 0 : i32
      %dma_start3A_176 = arith.constant 0 : i32
      %dma_start3A_177 = tpu.memref_slice %arg8[%dma_start3A_174, %dma_start3A_175, %dma_start3A_176] : memref<2x512x64xf32, #tpu.memory_space<vmem>> -> memref<1x512x64xf32, #tpu.memory_space<vmem>>
      %dma_start3A_178 = tpu.memref_squeeze %dma_start3A_177 : memref<1x512x64xf32, #tpu.memory_space<vmem>> -> memref<512x64xf32, #tpu.memory_space<vmem>>
      %dma_start3A_179 = tpu.memref_slice %arg6[%mul3A_173] : memref<25600xi32, #tpu.memory_space<vmem>> -> memref<512xi32, #tpu.memory_space<vmem>>
      %dma_start3A_180 = arith.constant 0 : i32
      %dma_start3A_181 = arith.constant 0 : i32
      %dma_start3A_182 = tpu.memref_slice %arg4[%dma_start3A_180, %dma_start3A_181] : memref<1000000x64xf32, #tpu.memory_space<hbm>> -> memref<1000000x64xf32, #tpu.memory_space<hbm>>
      tpu.enqueue_indirect_dma source(%dma_start3A_182 : memref<1000000x64xf32, #tpu.memory_space<hbm>>) target(%dma_start3A_178 : memref<512x64xf32, #tpu.memory_space<vmem>>) offsets(%dma_start3A_179 : memref<512xi32, #tpu.memory_space<vmem>>) semaphore(%arg10 : memref<!tpu.dma_semaphore, #tpu.memory_space<semaphore_mem>>)
    }
    %scan3A_45 = arith.constant 24 : i32
    %dma_wait3A_46 = arith.constant 1 : i32
    %dma_wait3A_47 = arith.constant 0 : i32
    %dma_wait3A_48 = arith.constant 0 : i32
    %dma_wait3A_49 = tpu.memref_slice %arg8[%dma_wait3A_46, %dma_wait3A_47, %dma_wait3A_48] : memref<2x512x64xf32, #tpu.memory_space<vmem>> -> memref<1x512x64xf32, #tpu.memory_space<vmem>>
    %dma_wait3A_50 = tpu.memref_squeeze %dma_wait3A_49 : memref<1x512x64xf32, #tpu.memory_space<vmem>> -> memref<512x64xf32, #tpu.memory_space<vmem>>
    %dma_wait3A_51 = arith.constant 0 : i32
    %dma_wait3A_52 = tpu.memref_slice %arg6[%dma_wait3A_51] : memref<25600xi32, #tpu.memory_space<vmem>> -> memref<512xi32, #tpu.memory_space<vmem>>
    %dma_wait3A_53 = arith.constant 0 : i32
    %dma_wait3A_54 = arith.constant 0 : i32
    %dma_wait3A_55 = tpu.memref_slice %arg4[%dma_wait3A_53, %dma_wait3A_54] : memref<1000000x64xf32, #tpu.memory_space<hbm>> -> memref<1000000x64xf32, #tpu.memory_space<hbm>>
    tpu.wait_indirect_dma semaphore(%arg10 : memref<!tpu.dma_semaphore, #tpu.memory_space<semaphore_mem>>) src(%dma_wait3A_55 : memref<1000000x64xf32, #tpu.memory_space<hbm>>) dst(%dma_wait3A_50 : memref<512x64xf32, #tpu.memory_space<vmem>>)
    %dma_start3A_56 = arith.constant 1 : i32
    %dma_start3A_57 = arith.constant 0 : i32
    %dma_start3A_58 = arith.constant 0 : i32
    %dma_start3A_59 = tpu.memref_slice %arg8[%dma_start3A_56, %dma_start3A_57, %dma_start3A_58] : memref<2x512x64xf32, #tpu.memory_space<vmem>> -> memref<1x512x64xf32, #tpu.memory_space<vmem>>
    %dma_start3A_60 = tpu.memref_squeeze %dma_start3A_59 : memref<1x512x64xf32, #tpu.memory_space<vmem>> -> memref<512x64xf32, #tpu.memory_space<vmem>>
    %dma_start3A_61 = arith.constant 25088 : i32
    %dma_start3A_62 = tpu.memref_slice %arg7[%dma_start3A_61] : memref<25600xi32, #tpu.memory_space<vmem>> -> memref<512xi32, #tpu.memory_space<vmem>>
    %dma_start3A_63 = arith.constant 0 : i32
    %dma_start3A_64 = arith.constant 0 : i32
    %dma_start3A_65 = tpu.memref_slice %arg5[%dma_start3A_63, %dma_start3A_64] : memref<819200x64xf32, #tpu.memory_space<hbm>> -> memref<819200x64xf32, #tpu.memory_space<hbm>>
    tpu.enqueue_indirect_dma source(%dma_start3A_60 : memref<512x64xf32, #tpu.memory_space<vmem>>) target(%dma_start3A_65 : memref<819200x64xf32, #tpu.memory_space<hbm>>) offsets(%dma_start3A_62 : memref<512xi32, #tpu.memory_space<vmem>>) semaphore(%arg12 : memref<!tpu.dma_semaphore, #tpu.memory_space<semaphore_mem>>)
    %dma_wait3A_66 = arith.constant 0 : i32
    %dma_wait3A_67 = arith.constant 0 : i32
    %dma_wait3A_68 = arith.constant 0 : i32
    %dma_wait3A_69 = tpu.memref_slice %arg8[%dma_wait3A_66, %dma_wait3A_67, %dma_wait3A_68] : memref<2x512x64xf32, #tpu.memory_space<vmem>> -> memref<1x512x64xf32, #tpu.memory_space<vmem>>
    %dma_wait3A_70 = tpu.memref_squeeze %dma_wait3A_69 : memref<1x512x64xf32, #tpu.memory_space<vmem>> -> memref<512x64xf32, #tpu.memory_space<vmem>>
    %dma_wait3A_71 = arith.constant 0 : i32
    %dma_wait3A_72 = tpu.memref_slice %arg7[%dma_wait3A_71] : memref<25600xi32, #tpu.memory_space<vmem>> -> memref<512xi32, #tpu.memory_space<vmem>>
    %dma_wait3A_73 = arith.constant 0 : i32
    %dma_wait3A_74 = arith.constant 0 : i32
    %dma_wait3A_75 = tpu.memref_slice %arg5[%dma_wait3A_73, %dma_wait3A_74] : memref<819200x64xf32, #tpu.memory_space<hbm>> -> memref<819200x64xf32, #tpu.memory_space<hbm>>
    tpu.wait_indirect_dma semaphore(%arg11 : memref<!tpu.dma_semaphore, #tpu.memory_space<semaphore_mem>>) src(%dma_wait3A_70 : memref<512x64xf32, #tpu.memory_space<vmem>>) dst(%dma_wait3A_75 : memref<819200x64xf32, #tpu.memory_space<hbm>>)
    %dma_wait3A_76 = arith.constant 1 : i32
    %dma_wait3A_77 = arith.constant 0 : i32
    %dma_wait3A_78 = arith.constant 0 : i32
    %dma_wait3A_79 = tpu.memref_slice %arg8[%dma_wait3A_76, %dma_wait3A_77, %dma_wait3A_78] : memref<2x512x64xf32, #tpu.memory_space<vmem>> -> memref<1x512x64xf32, #tpu.memory_space<vmem>>
    %dma_wait3A_80 = tpu.memref_squeeze %dma_wait3A_79 : memref<1x512x64xf32, #tpu.memory_space<vmem>> -> memref<512x64xf32, #tpu.memory_space<vmem>>
    %dma_wait3A_81 = arith.constant 0 : i32
    %dma_wait3A_82 = tpu.memref_slice %arg7[%dma_wait3A_81] : memref<25600xi32, #tpu.memory_space<vmem>> -> memref<512xi32, #tpu.memory_space<vmem>>
    %dma_wait3A_83 = arith.constant 0 : i32
    %dma_wait3A_84 = arith.constant 0 : i32
    %dma_wait3A_85 = tpu.memref_slice %arg5[%dma_wait3A_83, %dma_wait3A_84] : memref<819200x64xf32, #tpu.memory_space<hbm>> -> memref<819200x64xf32, #tpu.memory_space<hbm>>
    tpu.wait_indirect_dma semaphore(%arg12 : memref<!tpu.dma_semaphore, #tpu.memory_space<semaphore_mem>>) src(%dma_wait3A_80 : memref<512x64xf32, #tpu.memory_space<vmem>>) dst(%dma_wait3A_85 : memref<819200x64xf32, #tpu.memory_space<hbm>>)
    return
  }
}

module attributes {stable_mosaic.version = 14 : i64} {
  func.func @_tc_body(%arg0: i32, %arg1: i32, %arg2: memref<1x4096x128xf32, #tpu.memory_space<vmem>>, %arg3: memref<1x128x4096xf32, #tpu.memory_space<vmem>>) attributes {dimension_semantics = [#tpu.dimension_semantics<arbitrary>, #tpu.dimension_semantics<arbitrary>], iteration_bounds = array<i64: 25, 4>, scalar_prefetch = 0 : i64, scratch_operands = 0 : i64, tpu.core_type = #tpu.core_type<tc>, window_params = [{transform_indices = @transform_0, window_bounds = array<i64: 1, 4096, 128>}, {transform_indices = @transform_1, window_bounds = array<i64: 1, 128, 4096>}]} {
    %get3A = arith.constant 0 : index
    %get3A_0 = arith.constant 0 : index
    %get3A_1 = arith.constant 0 : index
    %get3A_2 = vector.load %arg2[%get3A, %get3A_0, %get3A_1] : memref<1x4096x128xf32, #tpu.memory_space<vmem>>, vector<1x4096x128xf32>
    %get3A_3 = vector.shape_cast %get3A_2 : vector<1x4096x128xf32> to vector<4096x128xf32>
    %transpose3A = tpu.transpose %get3A_3, [1, 0] : vector<4096x128xf32> -> vector<128x4096xf32>
    %swap3A = arith.constant 0 : index
    %swap3A_4 = arith.constant 0 : index
    %swap3A_5 = arith.constant 0 : index
    %swap3A_6 = vector.load %arg3[%swap3A, %swap3A_4, %swap3A_5] : memref<1x128x4096xf32, #tpu.memory_space<vmem>>, vector<1x128x4096xf32>
    %swap3A_7 = vector.shape_cast %swap3A_6 : vector<1x128x4096xf32> to vector<128x4096xf32>
    %swap3A_8 = vector.shape_cast %transpose3A : vector<128x4096xf32> to vector<1x128x4096xf32>
    tpu.vector_store %arg3[%swap3A, %swap3A_4, %swap3A_5], %swap3A_8 {strides = array<i32>} : memref<1x128x4096xf32, #tpu.memory_space<vmem>>, vector<1x128x4096xf32>,
    return
  }
  func.func @transform_0(%arg0: i32, %arg1: i32) -> (i32, i32, i32) {
    %c0_i32 = arith.constant 0 : i32
    %c0_i32_0 = arith.constant 0 : i32
    return %arg0, %arg1, %c0_i32 : i32, i32, i32
  }
  func.func @transform_1(%arg0: i32, %arg1: i32) -> (i32, i32, i32) {
    %c0_i32 = arith.constant 0 : i32
    %c0_i32_0 = arith.constant 0 : i32
    return %arg0, %c0_i32, %arg1 : i32, i32, i32
  }
}

</mosaic_0001>

<sc_bundles>
// kernel: kernel.4.cloned.1.call-start
scs
__scs_entry_jumppad:
0x0: {  	(pc) =	sbr.rel $0x88, $3  }
0x1: {  	(tag) =	ssettag $0x0;
	lr =	simm.s32 $0x1  }
0x2: {  	[smem:$0x3F9F] =	sst lr;
	_ =	strace $0xD0000000  }
0x3: {  	_ = 	snop  }
0x4: {  	_ = 	snop  }
0x5: {  	_ = 	snop  }
0x6: {  	_ = 	snop  }
0x7: {  	_ = 	snop  }
__scs_overlays_trampoline_lowered:
0x8: {  	[smem:$0x3FAE] =	sst s0  }
0x9: {  	[smem:$0x3FAF] =	sst s1  }
0xa: {  	[smem:$0x3FB0] =	sst s2  }
0xb: {  	[smem:$0x3FB1] =	sst s3  }
0xc: {  	[smem:$0x3FB2] =	sst s4  }
0xd: {  	[smem:$0x3FB3] =	sst s5  }
0xe: {  	[smem:$0x3FB4] =	sst s6  }
0xf: {  	[smem:$0x3FB5] =	sst s7  }
0x10: {  	[smem:$0x3FB6] =	sst s8  }
0x11: {  	[smem:$0x3FB7] =	sst s9;
	s0 =	simm.s32 @!p0 $0x0  }
0x12: {  	s1 =	sld [smem:$0x3F9D];
	s0 =	simm.s32 @p0 $0x1  }
0x13: {  	[smem:$0x3FB8] =	sst s0;
	s0 =	simm.s32 @!p1 $0x0  }
0x14: {  	s2 =	sld [smem:$0x3F9C];
	s0 =	simm.s32 @p1 $0x1  }
0x15: {  	[smem:$0x3FB9] =	sst s0;
	s0 =	simm.s32 @!p2 $0x0  }
0x16: {  	s3 =	sld [smem:$0x3FDB];
	s0 =	simm.s32 @p2 $0x1  }
0x17: {  	s4 =	simm.s32 $0x1BF5;
	[smem:$0x3FBB] =	sst s0  }
0x18: {  	s0 =	sld [smem:$0x3F9E];
	_ =	swait.ge [sflag:s4], $0x0  }
0x19: {  	s7 =	sld [smem:$0x3F9F]  }
0x1a: {  	s8 =	sadd.s32 $0xFFFFE003, lr  }
0x1b: {  	s9 =	sadd.s32 $0xFFFFFEF7, lr;
	s5 =	simm.s32 $0xFFFFFFFF;
	p2 =	slt.u32 s8, $0xFFFFF086  }
0x1c: {  	p1 =	slt.u32 s9, $0xF7A;
	s5 =	simm.s32 @!p2 $0x0  }
0x1d: {  	s5 =	simm.s32 @p1 $0x1;
	p0 =	seq.s32 s7, s2  }
0x1e: {  	s7 =	smul.u32 @!p0 $0xF7A, s2;
	p2 =	seq.s32 @!p0 s5, $0x0  }
0x1f: {  	s9 =	smul.u32 $0xF7A, s1;
	s8 =	simm.s32 @!p0 $0x1BF5;
	p2 =	por !p2, p0  }
0x20: {  	[sflag:s8] =	ssyncset.s32 @!p0 $0xFFFFF086;
	s6 =	sadd.s32 @!p0 s3, s7;
	s7 =	simm.s32 @!p0 $0x108  }
0x21: {  	s3 =	sadd.s32 s3, s9;
	s6 =	sadd.s32 @!p0 $0x88, s6;
	s7 =	simm.s32 @p2 $0x1082  }
0x22: {  	[simem:s7], [sflag:s8] =	dma.local @!p0 [hbm:s6], $0xF7A  }
0x23: {  	s9 =	sor.u32 $0xD0000000, s2;
	s6 =	simm.s32 $0x108;
	_ =	swait.ge @!p0 [sflag:s8], $0x0  }
0x24: {  	s3 =	sadd.s32 $0x88, s3;
	s6 =	simm.s32 @!p1 $0x1082;
	[sflag:s4] =	ssyncset.s32 $0xFFFFF086  }
0x25: {  	[simem:s6], [sflag:s4] =	dma.local [hbm:s3], $0xF7A  }
0x26: {  	[smem:$0x3F9F] =	sst s1;
	(tag) =	ssettag s2;
	_ =	strace s9  }
0x27: {  	s1 =	sld [smem:$0x3FAF]  }
0x28: {  	s2 =	sld [smem:$0x3FB0]  }
0x29: {  	s4 =	sld [smem:$0x3FB2]  }
0x2a: {  	p0 =	seq.s32 s5, $0x0;
	s5 =	sld [smem:$0x3FB3]  }
0x2b: {  	s6 =	sld [smem:$0x3FB4]  }
0x2c: {  	s7 =	sld [smem:$0x3FB5]  }
0x2d: {  	s3 =	simm.s32 $0x108;
	s8 =	sld [smem:$0x3FB6]  }
0x2e: {  	s3 =	simm.s32 @!p0 $0x1082;
	s9 =	sld [smem:$0x3FB7]  }
0x2f: {  	lr =	sadd.s32 s0, s3;
	s0 =	sld [smem:$0x3FAE]  }
0x30: {  	s3 =	sld [smem:$0x3FB1]  }
0x31: {  	[smem:$0x3FBA] =	sst s10  }
0x32: {  	s10 =	sld [smem:$0x3FB8];
	_ =	sdelay $0x3  }
0x33: {  	p0 =	seq.s32 s10, $0x1;
	s10 =	sld [smem:$0x3FBA];
	_ =	sdelay $0x3  }
0x34: {  	[smem:$0x3FBA] =	sst s10  }
0x35: {  	s10 =	sld [smem:$0x3FB9];
	_ =	sdelay $0x3  }
0x36: {  	p1 =	seq.s32 s10, $0x1;
	s10 =	sld [smem:$0x3FBA];
	_ =	sdelay $0x3  }
0x37: {  	[smem:$0x3FBA] =	sst s10  }
0x38: {  	s10 =	sld [smem:$0x3FBB]  }
0x39: {  	_ = 	snop;
	(pc) =	sbr.ind lr, $3  }
0x3a: {  	_ = 	snop  }
0x3b: {  	_ = 	snop  }
0x3c: {  	p2 =	seq.s32 s10, $0x1;
	s10 =	sld [smem:$0x3FBA]  }
0x3d: {  	_ =	shalt  }
0x3e: {  	_ =	shalt  }
0x3f: {  	_ =	shalt  }
0x40: {  	_ =	shalt  }
0x41: {  	_ =	shalt  }
0x42: {  	_ =	shalt  }
0x43: {  	_ =	shalt  }
0x44: {  	_ =	shalt  }
0x45: {  	_ =	shalt  }
0x46: {  	_ =	shalt  }
0x47: {  	_ =	shalt  }
0x48: {  	_ =	shalt  }
0x49: {  	_ =	shalt  }
0x4a: {  	_ =	shalt  }
0x4b: {  	_ =	shalt  }
0x4c: {  	_ =	shalt  }
0x4d: {  	_ =	shalt  }
0x4e: {  	_ =	shalt  }
0x4f: {  	_ =	shalt  }
0x50: {  	_ =	shalt  }
0x51: {  	_ =	shalt  }
0x52: {  	_ =	shalt  }
0x53: {  	_ =	shalt  }
0x54: {  	_ =	shalt  }
0x55: {  	_ =	shalt  }
0x56: {  	_ =	shalt  }
0x57: {  	_ =	shalt  }
0x58: {  	_ =	shalt  }
0x59: {  	_ =	shalt  }
0x5a: {  	_ =	shalt  }
0x5b: {  	_ =	shalt  }
0x5c: {  	_ =	shalt  }
0x5d: {  	_ =	shalt  }
0x5e: {  	_ =	shalt  }
0x5f: {  	_ =	shalt  }
0x60: {  	_ =	shalt  }
0x61: {  	_ =	shalt  }
0x62: {  	_ =	shalt  }
0x63: {  	_ =	shalt  }
0x64: {  	_ =	shalt  }
0x65: {  	_ =	shalt  }
0x66: {  	_ =	shalt  }
0x67: {  	_ =	shalt  }
0x68: {  	_ =	shalt  }
0x69: {  	_ =	shalt  }
0x6a: {  	_ =	shalt  }
0x6b: {  	_ =	shalt  }
0x6c: {  	_ =	shalt  }
0x6d: {  	_ =	shalt  }
0x6e: {  	_ =	shalt  }
0x6f: {  	_ =	shalt  }
0x70: {  	_ =	shalt  }
0x71: {  	_ =	shalt  }
0x72: {  	_ =	shalt  }
0x73: {  	_ =	shalt  }
0x74: {  	_ =	shalt  }
0x75: {  	_ =	shalt  }
0x76: {  	_ =	shalt  }
0x77: {  	_ =	shalt  }
0x78: {  	_ =	shalt  }
0x79: {  	_ =	shalt  }
0x7a: {  	_ =	shalt  }
0x7b: {  	_ =	shalt  }
0x7c: {  	_ =	shalt  }
0x7d: {  	_ =	shalt  }
0x7e: {  	_ =	shalt  }
0x7f: {  	_ =	shalt  }
0x80: {  	_ =	shalt  }
0x81: {  	_ =	shalt  }
0x82: {  	_ =	shalt  }
0x83: {  	_ =	shalt  }
0x84: {  	_ =	shalt  }
0x85: {  	_ =	shalt  }
0x86: {  	_ =	shalt  }
0x87: {  	_ =	shalt  }
.Lfunc_end0:
.L_simem_size_0:
called_computation_lowered:
.L_overlay_start_0:
0x88: {  	s2 =	sld [smem:$0x3FD9]  }
0x89: {  	s3 =	sld [smem:$0x3FFE];
	_ =	sdelay $0x1  }
0x8a: {  	s1 =	srdreg.scid  }
0x8b: {  	s0 =	sand.u32 $0x1, s1  }
0x8c: {  	s17 =	sshll.u32 s0, $0xA;
	s2 =	sadd.s32 s3, s2  }
0x8d: {  	s2 =	sadd.s32 s2, s17  }
0x8e: {  	[smem:$0x3FC6] =	sst s2  }
0x8f: {  	_ = 	snop  }
0x90: {  	s2 =	sld [smem:$0x3FD0];
	(tm) =	ssettm $0x1  }
0x91: {  	s18 =	sld [smem:$0x3FFB];
	_ =	sdelay $0x3  }
0x92: {  	_ =	strace s18  }
0x93: {  	s3 =	sld [smem:$0x3FFC];
	_ =	sdelay $0x3  }
0x94: {  	_ =	strace s3  }
0x95: {  	s3 =	sld [smem:$0x3FFD];
	_ =	sdelay $0x3  }
0x96: {  	_ =	strace s3  }
0x97: {  	_ =	strace $0x8FFFFFFF  }
0x98: {  	s19 =	sld [smem:$0x3FDB];
	_ =	sdelay $0x1  }
0x99: {  	s4 =	simm.s32 $_scs_section_size  }
0x9a: {  	s5 =	simm.s32 $_size__tile_overlayer_lowered;
	s6 =	simm.s32 $_tile_overlayer_lowered  }
0x9b: {  	s22 =	simm.s32 $0x1BFF;
	s21 =	sshll.u32 s6, $0x1;
	s3 =	sadd.s32 s4, s19  }
0x9c: {  	s7 =	simm.s32 $0x0;
	s20 =	sshll.u32 s5, $0x1;
	s5 =	sadd.s32 s21, s3  }
0x9d: {  	[timem:s7], [sflag:s22] =	dma.local [hbm:s5], s20  }
0x9e: {  	_ =	swait.ge [sflag:s22], s20  }
0x9f: {  	s4 =	ssub.s32 $0x0, s20;
	[sflag:s22] =	ssyncset.done $0x0  }
0xa0: {  	[sflag:s22] =	ssyncadd.s32 s4;
	_ =	sdelay $0x1  }
0xa1: {  	s23 =	simm.s32 $0x1B8B  }
0xa2: {  	_ =	swait.ge [sflag:s23], $0x1  }
0xa3: {  	[sflag:s23] =	ssyncset.done $0x0  }
0xa4: {  	s25 =	simm.s32 $0x1B8E;
	s24 =	sld [smem:$0x3FFE];
	[sflag:s23] =	ssyncadd.s32 $0xFFFFFFFF  }
0xa5: {  	s26 =	simm.s32 $execute0_lowered;
	[smem:$0x3FD2] =	sst s25  }
0xa6: {  	s5 =	sshll.u32 s26, $0x1;
	_ =	strace $0x80000046;
	[dreg:$0x1] =	wrdreg $0xFFFFFFFF  }
0xa7: {  	s28 =	simm.s32 $_size_execute0_lowered;
	s3 =	sadd.s32 s3, s5;
	[dreg:$0x0] =	wrdreg $0x0  }
0xa8: {  	s5 =	sshll.u32 s28, $0x1;
	[dreg:$0x2] =	wrdreg s3  }
0xa9: {  	[dreg:$0x3] =	wrdreg s5  }
0xaa: {  	[dreg:$0x4] =	wrdreg $0xC0  }
0xab: {  	_ =	task [dreg:s7], $0x5FFFF  }
0xac: {  	[dreg:$0x1] =	wrdreg $0xFFFFFFFF  }
0xad: {  	[dreg:$0x0] =	wrdreg $0x60  }
0xae: {  	[dreg:$0x2] =	wrdreg s2  }
0xaf: {  	[dreg:$0x3] =	wrdreg s24  }
0xb0: {  	[dreg:$0x4] =	wrdreg $0x9  }
0xb1: {  	_ =	task.clear_ibuf [dreg:s7], $0x5FFFF;
	_ =	strace $0x90000046  }
0xb2: {  	s29 =	simm.s32 $0x9;
	_ =	strace $0x80000048  }
0xb3: {  	_ =	swait.ge [sflag:s29], $0x1  }
0xb4: {  	[sflag:s29] =	ssyncadd.s32 $0xFFFFFFFF  }
0xb5: {  	_ =	strace $0x90000048  }
0xb6: {  	_ =	sfence  }
0xb7: {  	s30 =	sld [smem:$0x0];
	_ =	sdelay $0x2  }
0xb8: {  	s31 =	sshll.u32 s1, $0xD;
	s1 =	sshrl.u32 s1, $0x2  }
0xb9: {  	s3 =	sand.u32 $0x4000, s31;
	s1 =	sadd.s32 s1, s30  }
0xba: {  	s0 =	sor.u32 s3, s0;
	s1 =	sshll.u32 s1, $0x11  }
0xbb: {  	s0 =	sor.u32 s1, s0  }
0xbc: {  	s0 =	sadd.s32 $0x8F2B, s0  }
0xbd: {  	[sflag:s0] =	ssyncadd.remote.s32 $0x1  }
0xbe: {  	_ =	sfence.sel $0xFFFF  }
0xbf: {  	[dreg:$0x0] =	wrdreg $0xFFFFFFFF;
	(pc) =	sbr.abs _section_cstart, $3  }
0xc0: {  	[dreg:$0x1] =	wrdreg $0xFFFFFFFF  }
0xc1: {  	_ =	task.clear_ibuf [dreg:s7], $0x2FFFF;
	_ =	strace $0x9FFFFFFF  }
0xc2: {  	(tm) =	ssettm $0x7FFFFFFF  }
0xc3: {  	_ =	shalt  }
tec
execute0_lowered:
.L_overlay_start_1:
0x0: {  	(tag) =	ssettag $0x1  }
0x1: {  	s1 =	srdreg.scid;
	s5 =	rddreg [dreg:$0x0]  }
0x2: {  	s0 =	stileid.u32;
	s4 =	rddreg [dreg:$0x1];
	s2 =	simm.s32 $0x0  }
0x3: {  	s10 =	simm.s32 $0x200;
	s11 =	simm.s32 $0xC800;
	s12 =	simm.s32 $0x1  }
0x4: {  	s13 =	simm.s32 $0x14800;
	s14 =	simm.s32 $0x2;
	s15 =	simm.s32 $0x3  }
0x5: {  	s16 =	simm.s32 $0x4;
	s17 =	simm.s32 $0xC600;
	s18 =	simm.s32 $0x0  }
0x6: {  	s3 =	sand.u32 $0x1, s1;
	s31 =	sshll.u32 s0, $0x1;
	s1 =	rddreg [dreg:$0x2]  }
0x7: {  	[smem:$0x7FF] =	sst s2;
	s6 =	sor.u32 s3, s31;
	s8 =	ssub.s32 $0x2, s3  }
0x8: {  	_ =	strace $0x80000047;
	s6 =	smul.u32 $0xC80, s6;
	s9 =	sshrl.u32 s8, $0x1  }
0x9: {  	s3 =	sadd.s32 $0xF5BA00, s4;
	s8 =	ssub.s32 s8, s9;
	s9 =	simm.s32 $0x6400  }
0xa: {  	s7 =	sadd.s32 s6, s4;
	s4 =	sadd.s32 $0x19600, s4;
	s5 =	sadd.s32 s5, s6  }
0xb: {  	s6 =	sadd.s32 $0x600, s7;
	s7 =	smax.u32 s8, $0x1;
	s8 =	simm.s32 $0x5  }
.LBB2_1:
0xc: {  	[tilespmem:s2], [sflag:$0x5] =	stream.linear.gather [hbm4b:s5+s2], $0x6400, $0x38;
	[tilespmem:$0x1C800] =	vst v63  }
0xd: {  	_ =	swait.ge [sflag:s8], $0x6400  }
0xe: {  	[sflag:s8] =	ssyncset.done $0x0  }
0xf: {  	[sflag:s8] =	ssyncadd.s32 $0xFFFF9C00  }
0x10: {  	[tilespmem:s9], [sflag:$0x5] =	stream.linear.gather [hbm4b:s6+s2], $0x6400, $0x38;
	[tilespmem:$0x1C800] =	vst v63  }
0x11: {  	_ =	swait.ge [sflag:s8], $0x6400  }
0x12: {  	[sflag:s8] =	ssyncset.done $0x0  }
0x13: {  	[sflag:s8] =	ssyncadd.s32 $0xFFFF9C00  }
0x14: {  	[tilespmem:s11], [sflag:$0x1] =	stream.indirect.gather [hbm4b:s3+s10], $0x40, s2, s10, $0xb8;
	[tilespmem:$0x1C800] =	vst v63  }
0x15: {  	_ =	swait.ge [sflag:s12], $0x8000  }
0x16: {  	[sflag:s12] =	ssyncset.done $0x0  }
0x17: {  	[sflag:s12] =	ssyncadd.s32 $0xFFFF8000  }
0x18: {  	[hbm4b:s4+s10] =	stream.indirect.scatter [tilespmem:s11], [sflag:$0x3], $0x40, s9, s10, $0xb8;
	[tilespmem:$0x1C800] =	vst v63  }
0x19: {  	_ = 	snop  }
0x1a: {  	[tilespmem:s13], [sflag:$0x2] =	stream.indirect.gather [hbm4b:s3+s10], $0x40, s10, s10, $0xb8;
	[tilespmem:$0x1C800] =	vst v63  }
0x1b: {  	_ =	swait.ge [sflag:s14], $0x8000  }
0x1c: {  	[sflag:s14] =	ssyncset.done $0x0  }
0x1d: {  	s19 =	simm.s32 $0x6600;
	[sflag:s14] =	ssyncadd.s32 $0xFFFF8000  }
0x1e: {  	[hbm4b:s4+s10] =	stream.indirect.scatter [tilespmem:s13], [sflag:$0x4], $0x40, s19, s10, $0xb8;
	[tilespmem:$0x1C800] =	vst v63  }
0x1f: {  	_ =	swait.ge [sflag:s15], $0x8000  }
0x20: {  	[sflag:s15] =	ssyncset.done $0x0  }
0x21: {  	s30 =	simm.s32 $0x400;
	[sflag:s15] =	ssyncadd.s32 $0xFFFF8000  }
0x22: {  	[tilespmem:s11], [sflag:$0x1] =	stream.indirect.gather [hbm4b:s3+s10], $0x40, s30, s10, $0xb8;
	[tilespmem:$0x1C800] =	vst v63  }
0x23: {  	_ =	swait.ge [sflag:s12], $0x8000  }
0x24: {  	[sflag:s12] =	ssyncset.done $0x0  }
0x25: {  	s31 =	simm.s32 $0x6800;
	[sflag:s12] =	ssyncadd.s32 $0xFFFF8000  }
0x26: {  	[hbm4b:s4+s10] =	stream.indirect.scatter [tilespmem:s11], [sflag:$0x3], $0x40, s31, s10, $0xb8;
	[tilespmem:$0x1C800] =	vst v63  }
0x27: {  	_ =	swait.ge [sflag:s16], $0x8000  }
0x28: {  	[sflag:s16] =	ssyncset.done $0x0  }
0x29: {  	s20 =	simm.s32 $0x600;
	s19 =	simm.s32 $0xFFFE9000;
	[sflag:s16] =	ssyncadd.s32 $0xFFFF8000  }
.LBB2_2:
0x2a: {  	[tilespmem:s13], [sflag:$0x2] =	stream.indirect.gather [hbm4b:s3+s10], $0x40, s20, s10, $0xb8;
	[tilespmem:$0x1C800] =	vst v63  }
0x2b: {  	s20 =	smov.u32 s19  }
0x2c: {  	p0 =	sne.s32 s19, $0xFFFFF000;
	s19 =	sadd.s32 $0x1000, s19;
	_ =	swait.ge [sflag:s14], $0x8000  }
0x2d: {  	s20 =	sshra.s32 s20, $0x2;
	[sflag:s14] =	ssyncset.done $0x0  }
0x2e: {  	s21 =	sadd.s32 $0xC600, s20;
	[sflag:s14] =	ssyncadd.s32 $0xFFFF8000  }
0x2f: {  	[hbm4b:s4+s10] =	stream.indirect.scatter [tilespmem:s13], [sflag:$0x4], $0x40, s21, s10, $0xb8;
	[tilespmem:$0x1C800] =	vst v63  }
0x30: {  	_ =	swait.ge [sflag:s15], $0x8000  }
0x31: {  	[sflag:s15] =	ssyncset.done $0x0  }
0x32: {  	s21 =	sadd.s32 $0x6400, s20;
	[sflag:s15] =	ssyncadd.s32 $0xFFFF8000  }
0x33: {  	[tilespmem:s11], [sflag:$0x1] =	stream.indirect.gather [hbm4b:s3+s10], $0x40, s21, s10, $0xb8;
	[tilespmem:$0x1C800] =	vst v63  }
0x34: {  	_ =	swait.ge [sflag:s12], $0x8000  }
0x35: {  	[sflag:s12] =	ssyncset.done $0x0  }
.Ltmp0:
0x36: {  	s21 =	sadd.s32 $0xC800, s20;
	[sflag:s12] =	ssyncadd.s32 $0xFFFF8000;
	(pc) =	sbr.rel @p0 .LBB2_2-.Ltmp0, $4  }
0x37: {  	[hbm4b:s4+s10] =	stream.indirect.scatter [tilespmem:s11], [sflag:$0x3], $0x40, s21, s10, $0xb8;
	[tilespmem:$0x1C800] =	vst v63  }
0x38: {  	_ =	swait.ge [sflag:s16], $0x8000  }
0x39: {  	[sflag:s16] =	ssyncset.done $0x0  }
0x3a: {  	s20 =	sadd.s32 $0x6600, s20;
	[sflag:s16] =	ssyncadd.s32 $0xFFFF8000  }
0x3b: {  	[tilespmem:s13], [sflag:$0x2] =	stream.indirect.gather [hbm4b:s3+s10], $0x40, s20, s10, $0xb8;
	[tilespmem:$0x1C800] =	vst v63  }
0x3c: {  	_ =	swait.ge [sflag:s14], $0x8000  }
0x3d: {  	[sflag:s14] =	ssyncset.done $0x0  }
0x3e: {  	s18 =	sadd.s32 $0x1, s18;
	[sflag:s14] =	ssyncadd.s32 $0xFFFF8000  }
0x3f: {  	[hbm4b:s4+s10] =	stream.indirect.scatter [tilespmem:s13], [sflag:$0x4], $0x40, s17, s10, $0xb8;
	[tilespmem:$0x1C800] =	vst v63  }
0x40: {  	p0 =	sne.s32 s18, s7;
	_ =	swait.ge [sflag:s15], $0x8000  }
.Ltmp1:
0x41: {  	[sflag:s15] =	ssyncset.done $0x0;
	(pc) =	sbr.rel @p0 .LBB2_1-.Ltmp1, $4  }
0x42: {  	[sflag:s15] =	ssyncadd.s32 $0xFFFF8000  }
0x43: {  	_ =	swait.ge [sflag:s16], $0x8000  }
0x44: {  	[sflag:s16] =	ssyncset.done $0x0  }
0x45: {  	[sflag:s16] =	ssyncadd.s32 $0xFFFF8000  }
0x46: {  	_ =	sfence.sel $0x180000  }
0x47: {  	[bflag:$0x0] =	sbarrier.arrive $0xFFFF  }
0x48: {  	p0 =	sne.s32 s0, $0x0;
	_ =	strace $0x90000047  }
0x49: {  	s0 =	sadd.s32 @!p0 $0x100000, s1;
	[bflag:$0x2] =	sbarrier.arrive $0xFFFF  }
0x4a: {  	[sflag:s0] =	ssyncadd.tile.s32 @!p0 $0x1;
	_ =	shalt  }
.Lfunc_end2:
_tile_overlayer_lowered:
.L_overlay_start_2:
0x4b: {  	(tag) =	ssettag $0x2  }
0x4c: {  	s0 =	rddreg [dreg:$0x0];
	s2 =	stileid.u32  }
0x4d: {  	s1 =	rddreg [dreg:$0x1];
	p0 =	sne.s32 s2, $0x0  }
0x4e: {  	s3 =	rddreg [dreg:$0x2];
	[bflag:$0x3] =	sbarrier.arrive $0xFFFF;
	s2 =	simm.s32 @!p0 $0x1C05  }
0x4f: {  	[timem:s3], [sflag:s2] =	dma.local @!p0 [hbm:s0], s1  }
0x50: {  	s0 =	simm.s32 @!p0 $0x5  }
0x51: {  	_ =	swait.ge @!p0 [sflag:s0], s1  }
0x52: {  	s1 =	ssub.s32 @!p0 $0x0, s1;
	[sflag:s0] =	ssyncset.done @!p0 $0x0  }
0x53: {  	[sflag:s0] =	ssyncadd.s32 @!p0 s1  }
0x54: {  	[bflag:$0x3] =	sbarrier.arrive $0xFFFF  }
0x55: {  	_ =	shalt  }

</sc_bundles>
